<compile_context>
chip_gen: v7x
topology: tpu7x:2x2x1
jax: 0.10.2.dev20260603
libtpu: 0.0.44.dev20260713+nightly
codegen_flags: <defaults>
</compile_context>

<pallas_src>
import functools

import jax
import jax.numpy as jnp
from jax import lax
from jax.experimental import pallas as pl
from jax.experimental.pallas import tpu as pltpu
from jax.experimental.pallas import tpu_sc as plsc

_VOCAB = 100000
_EMBED = 128
_BATCH = 4096
_SEQ = 200

_NC = 2
_NS = 16
_NW = _NC * _NS
_ROWS_PER_W = _BATCH // _NW
_GROUPS = _ROWS_PER_W // 16
_TBLK = 4
_VPAD = 100352
_VBLK = 14336


def _matvec_body(t_ref, w_ref, b_ref, o_ref, o2_ref):
    t3 = t_ref[...].reshape(_VBLK // _EMBED, _EMBED, _EMBED)
    r = jax.lax.dot_general(
        w_ref[...], t3, (((0,), (2,)), ((), ())),
        preferred_element_type=jnp.float32,
    )
    o_ref[...] = r * (1.0 / _SEQ)
    o2_ref[...] = jnp.full((16,), b_ref[0], jnp.float32)


def _matvec(table, fc_w, fc_b):
    return pl.pallas_call(
        _matvec_body,
        grid=(_VPAD // _VBLK,),
        in_specs=[
            pl.BlockSpec((_VBLK, _EMBED), lambda i: (i, 0)),
            pl.BlockSpec((_EMBED,), lambda i: (0,)),
            pl.BlockSpec((1,), lambda i: (0,)),
        ],
        out_specs=[
            pl.BlockSpec((_VBLK // _EMBED, _EMBED), lambda i: (i, 0)),
            pl.BlockSpec((16,), lambda i: (0,)),
        ],
        out_shape=[
            jax.ShapeDtypeStruct((_VPAD // _EMBED, _EMBED), jnp.float32),
            jax.ShapeDtypeStruct((16,), jnp.float32),
        ],
    )(table, fc_w, fc_b)


def _sc_pool_body(xt_hbm, v_hbm, b_hbm, out_hbm, x_l, v_l, b_l, o_l, sem):
    cid = lax.axis_index("c")
    sid = lax.axis_index("s")
    w = sid * _NC + cid
    base = w * _ROWS_PER_W

    c1 = pltpu.async_copy(xt_hbm.at[:, pl.ds(base, _ROWS_PER_W)], x_l, sem)
    c2 = pltpu.async_copy(v_hbm.at[pl.ds(0, _VOCAB)], v_l, sem)
    c3 = pltpu.async_copy(b_hbm, b_l, sem)
    c1.wait()
    c2.wait()
    c3.wait()

    bias = b_l[...]
    init = tuple(bias for _ in range(_GROUPS))

    def step(i, accs):
        accs = list(accs)
        t0 = i * _TBLK
        for k in range(_TBLK):
            for g in range(_GROUPS):
                idx = x_l[t0 + k, pl.ds(g * 16, 16)]
                vals = plsc.load_gather(v_l, [idx])
                accs[g] = accs[g] + vals
        return tuple(accs)

    accs = lax.fori_loop(0, _SEQ // _TBLK, step, init)
    for g in range(_GROUPS):
        o_l[pl.ds(g * 16, 16)] = accs[g]
    pltpu.sync_copy(o_l, out_hbm.at[pl.ds(base, _ROWS_PER_W)])


_sc_pool = functools.partial(
    pl.kernel,
    mesh=plsc.VectorSubcoreMesh(core_axis_name="c", subcore_axis_name="s"),
    out_type=jax.ShapeDtypeStruct((_BATCH,), jnp.float32),
    compiler_params=pltpu.CompilerParams(needs_layout_passes=False),
    scratch_types=[
        pltpu.VMEM((_SEQ, _ROWS_PER_W), jnp.int32),
        pltpu.VMEM((_VOCAB,), jnp.float32),
        pltpu.VMEM((16,), jnp.float32),
        pltpu.VMEM((_ROWS_PER_W,), jnp.float32),
        pltpu.SemaphoreType.DMA,
    ],
)(_sc_pool_body)


def kernel(x, table, fc_w, fc_b):
    xt = jnp.swapaxes(x.astype(jnp.int32), 0, 1)
    v2d, b16 = _matvec(table, fc_w.reshape(_EMBED), fc_b)
    out = _sc_pool(xt, v2d.reshape(_VPAD), b16)
    return out.reshape(_BATCH, 1)

# --- scband reference (transcript-rebuilt; emitter-appended) ---
"""Pipeline reference for scband-fast-text-model-53635551593129 (READ-ONLY COPY).

The authoritative reference and input builder live on the scoring server;
editing this copy changes nothing except your own understanding.
"""

import jax, jax.numpy as jnp
import numpy as np

VOCAB = 100000
EMBED = 128
BATCH = 4096
SEQ = 200

def setup_inputs(seed: int = 0) -> dict:
    key = jax.random.key(seed)
    k1, k2, k3, k4 = jax.random.split(key, 4)
    x = jax.random.randint(k1, (BATCH, SEQ), 0, VOCAB, dtype=jnp.int64) if jax.config.jax_enable_x64 else jax.random.randint(k1, (BATCH, SEQ), 0, VOCAB, dtype=jnp.int32)
    table = jax.random.normal(k2, (VOCAB, EMBED), dtype=jnp.float32) * 0.02
    fc_w = jax.random.normal(k3, (EMBED, 1), dtype=jnp.float32) * (1.0 / np.sqrt(EMBED))
    fc_b = jax.random.normal(k4, (1,), dtype=jnp.float32) * 0.01
    return {"x": x, "table": table, "fc_w": fc_w, "fc_b": fc_b}

def reference(x, table, fc_w, fc_b):
    # embedding lookup: [B, L, D]
    emb = jnp.take(table, x, axis=0)
    # mean over sequence dim
    pooled = jnp.mean(emb, axis=1)
    # linear layer -> [B, 1]
    out = pooled @ fc_w + fc_b
    return out

if __name__ == "__main__":
    import jax
    _d = setup_inputs()
    print(jax.jit(kernel)(*tuple(_d.values())))

</pallas_src>

<mosaic_0001>
#map = affine_map<(d0, d1) -> (0, 0)>
#map1 = affine_map<(d0, d1) -> (0)>
module attributes {stable_mosaic.version = 14 : i64} {
  func.func @_sc_pool_body(%arg0: i32, %arg1: i32, %arg2: memref<200x4096xi32, #tpu.memory_space<hbm>>, %arg3: memref<100352xf32, #tpu.memory_space<hbm>>, %arg4: memref<16xf32, #tpu.memory_space<hbm>>, %arg5: memref<4096xf32, #tpu.memory_space<hbm>>, %arg6: memref<200x128xi32, #tpu.memory_space<vmem>>, %arg7: memref<100000xf32, #tpu.memory_space<vmem>>, %arg8: memref<16xf32, #tpu.memory_space<vmem>>, %arg9: memref<128xf32, #tpu.memory_space<vmem>>, %arg10: memref<!tpu.dma_semaphore, #tpu.memory_space<semaphore_mem>>) attributes {dimension_semantics = [#tpu.dimension_semantics<core_parallel>, #tpu.dimension_semantics<subcore_parallel>], iteration_bounds = array<i64: 2, 16>, scalar_prefetch = 0 : i64, scratch_operands = 5 : i64, tpu.core_type = #tpu.core_type<sc_vector_subcore>, window_params = [{transform_indices = #map}, {transform_indices = #map1}, {transform_indices = #map1}, {transform_indices = #map1}]} {
    %mul3A = arith.constant 2 : i32
    %mul3A_0 = arith.muli %arg1, %mul3A : i32
    %add3A = arith.addi %mul3A_0, %arg0 : i32
    %mul3A_1 = arith.constant 128 : i32
    %mul3A_2 = arith.muli %add3A, %mul3A_1 : i32
    %dma_start3A = arith.constant 0 : i32
    %dma_start3A_3 = tpu.memref_slice %arg2[%dma_start3A, %mul3A_2] : memref<200x4096xi32, #tpu.memory_space<hbm>> -> memref<200x128xi32, #tpu.memory_space<hbm>>
    %dma_start3A_4 = arith.constant 0 : i32
    %dma_start3A_5 = tpu.memref_slice %arg2[%dma_start3A_4, %mul3A_2] : memref<200x4096xi32, #tpu.memory_space<hbm>> -> memref<200x128xi32, #tpu.memory_space<hbm>>
    tpu.enqueue_dma source(%dma_start3A_5 : memref<200x128xi32, #tpu.memory_space<hbm>>) target(%arg6 : memref<200x128xi32, #tpu.memory_space<vmem>>) target_semaphore(%arg10 : memref<!tpu.dma_semaphore, #tpu.memory_space<semaphore_mem>>)
    %dma_start3A_6 = arith.constant 0 : i32
    %dma_start3A_7 = tpu.memref_slice %arg3[%dma_start3A_6] : memref<100352xf32, #tpu.memory_space<hbm>> -> memref<100000xf32, #tpu.memory_space<hbm>>
    %dma_start3A_8 = arith.constant 0 : i32
    %dma_start3A_9 = tpu.memref_slice %arg3[%dma_start3A_8] : memref<100352xf32, #tpu.memory_space<hbm>> -> memref<100000xf32, #tpu.memory_space<hbm>>
    tpu.enqueue_dma source(%dma_start3A_9 : memref<100000xf32, #tpu.memory_space<hbm>>) target(%arg7 : memref<100000xf32, #tpu.memory_space<vmem>>) target_semaphore(%arg10 : memref<!tpu.dma_semaphore, #tpu.memory_space<semaphore_mem>>)
    tpu.enqueue_dma source(%arg4 : memref<16xf32, #tpu.memory_space<hbm>>) target(%arg8 : memref<16xf32, #tpu.memory_space<vmem>>) target_semaphore(%arg10 : memref<!tpu.dma_semaphore, #tpu.memory_space<semaphore_mem>>)
    %dma_wait3A = arith.constant 0 : i32
    %dma_wait3A_10 = tpu.memref_slice %arg2[%dma_wait3A, %mul3A_2] : memref<200x4096xi32, #tpu.memory_space<hbm>> -> memref<200x128xi32, #tpu.memory_space<hbm>>
    %dma_wait3A_11 = arith.constant 0 : i32
    %dma_wait3A_12 = tpu.memref_slice %arg2[%dma_wait3A_11, %mul3A_2] : memref<200x4096xi32, #tpu.memory_space<hbm>> -> memref<200x128xi32, #tpu.memory_space<hbm>>
    tpu.wait_dma2 semaphore(%arg10 : memref<!tpu.dma_semaphore, #tpu.memory_space<semaphore_mem>>) src(%dma_wait3A_12 : memref<200x128xi32, #tpu.memory_space<hbm>>) dst(%arg6 : memref<200x128xi32, #tpu.memory_space<vmem>>)
    %dma_wait3A_13 = arith.constant 0 : i32
    %dma_wait3A_14 = tpu.memref_slice %arg3[%dma_wait3A_13] : memref<100352xf32, #tpu.memory_space<hbm>> -> memref<100000xf32, #tpu.memory_space<hbm>>
    %dma_wait3A_15 = arith.constant 0 : i32
    %dma_wait3A_16 = tpu.memref_slice %arg3[%dma_wait3A_15] : memref<100352xf32, #tpu.memory_space<hbm>> -> memref<100000xf32, #tpu.memory_space<hbm>>
    tpu.wait_dma2 semaphore(%arg10 : memref<!tpu.dma_semaphore, #tpu.memory_space<semaphore_mem>>) src(%dma_wait3A_16 : memref<100000xf32, #tpu.memory_space<hbm>>) dst(%arg7 : memref<100000xf32, #tpu.memory_space<vmem>>)
    tpu.wait_dma2 semaphore(%arg10 : memref<!tpu.dma_semaphore, #tpu.memory_space<semaphore_mem>>) src(%arg4 : memref<16xf32, #tpu.memory_space<hbm>>) dst(%arg8 : memref<16xf32, #tpu.memory_space<vmem>>)
    %get3A = arith.constant 0 : index
    %get3A_17 = tpu.vector_load %arg8[%get3A] {strides = array<i32>} : memref<16xf32, #tpu.memory_space<vmem>>, vector<16xf32>,
    %scan3A = arith.constant 0 : i32
    %scan3A_18 = arith.constant 50 : i32
    %scan3A_19 = arith.addi %scan3A, %scan3A_18 : i32
    %scan3A_20 = arith.constant 1 : i32
    %scan3A_21:8 = scf.for %scan3A_38 = %scan3A to %scan3A_19 step %scan3A_20 iter_args(%scan3A_39 = %get3A_17, %scan3A_40 = %get3A_17, %scan3A_41 = %get3A_17, %scan3A_42 = %get3A_17, %scan3A_43 = %get3A_17, %scan3A_44 = %get3A_17, %scan3A_45 = %get3A_17, %scan3A_46 = %get3A_17) -> (vector<16xf32>, vector<16xf32>, vector<16xf32>, vector<16xf32>, vector<16xf32>, vector<16xf32>, vector<16xf32>, vector<16xf32>)  : i32 {
      %mul3A_47 = arith.constant 4 : i32
      %mul3A_48 = arith.muli %scan3A_38, %mul3A_47 : i32
      %add3A_49 = arith.constant 0 : i32
      %add3A_50 = arith.addi %mul3A_48, %add3A_49 : i32
      %get3A_51 = arith.index_cast %add3A_50 : i32 to index
      %get3A_52 = arith.constant 0 : index
      %get3A_53 = tpu.vector_load %arg6[%get3A_51, %get3A_52] {strides = array<i32>} : memref<200x128xi32, #tpu.memory_space<vmem>>, vector<16xi32>,
      %gather3A = tpu.vector_load_idx %arg7[%get3A_53] : memref<100000xf32, #tpu.memory_space<vmem>>[vector<16xi32>], vector<16xf32>,
      %add3A_54 = arith.addf %scan3A_39, %gather3A : vector<16xf32>
      %add3A_55 = arith.constant 0 : i32
      %add3A_56 = arith.addi %mul3A_48, %add3A_55 : i32
      %get3A_57 = arith.index_cast %add3A_56 : i32 to index
      %get3A_58 = arith.constant 16 : index
      %get3A_59 = tpu.vector_load %arg6[%get3A_57, %get3A_58] {strides = array<i32>} : memref<200x128xi32, #tpu.memory_space<vmem>>, vector<16xi32>,
      %gather3A_60 = tpu.vector_load_idx %arg7[%get3A_59] : memref<100000xf32, #tpu.memory_space<vmem>>[vector<16xi32>], vector<16xf32>,
      %add3A_61 = arith.addf %scan3A_40, %gather3A_60 : vector<16xf32>
      %add3A_62 = arith.constant 0 : i32
      %add3A_63 = arith.addi %mul3A_48, %add3A_62 : i32
      %get3A_64 = arith.index_cast %add3A_63 : i32 to index
      %get3A_65 = arith.constant 32 : index
      %get3A_66 = tpu.vector_load %arg6[%get3A_64, %get3A_65] {strides = array<i32>} : memref<200x128xi32, #tpu.memory_space<vmem>>, vector<16xi32>,
      %gather3A_67 = tpu.vector_load_idx %arg7[%get3A_66] : memref<100000xf32, #tpu.memory_space<vmem>>[vector<16xi32>], vector<16xf32>,
      %add3A_68 = arith.addf %scan3A_41, %gather3A_67 : vector<16xf32>
      %add3A_69 = arith.constant 0 : i32
      %add3A_70 = arith.addi %mul3A_48, %add3A_69 : i32
      %get3A_71 = arith.index_cast %add3A_70 : i32 to index
      %get3A_72 = arith.constant 48 : index
      %get3A_73 = tpu.vector_load %arg6[%get3A_71, %get3A_72] {strides = array<i32>} : memref<200x128xi32, #tpu.memory_space<vmem>>, vector<16xi32>,
      %gather3A_74 = tpu.vector_load_idx %arg7[%get3A_73] : memref<100000xf32, #tpu.memory_space<vmem>>[vector<16xi32>], vector<16xf32>,
      %add3A_75 = arith.addf %scan3A_42, %gather3A_74 : vector<16xf32>
      %add3A_76 = arith.constant 0 : i32
      %add3A_77 = arith.addi %mul3A_48, %add3A_76 : i32
      %get3A_78 = arith.index_cast %add3A_77 : i32 to index
      %get3A_79 = arith.constant 64 : index
      %get3A_80 = tpu.vector_load %arg6[%get3A_78, %get3A_79] {strides = array<i32>} : memref<200x128xi32, #tpu.memory_space<vmem>>, vector<16xi32>,
      %gather3A_81 = tpu.vector_load_idx %arg7[%get3A_80] : memref<100000xf32, #tpu.memory_space<vmem>>[vector<16xi32>], vector<16xf32>,
      %add3A_82 = arith.addf %scan3A_43, %gather3A_81 : vector<16xf32>
      %add3A_83 = arith.constant 0 : i32
      %add3A_84 = arith.addi %mul3A_48, %add3A_83 : i32
      %get3A_85 = arith.index_cast %add3A_84 : i32 to index
      %get3A_86 = arith.constant 80 : index
      %get3A_87 = tpu.vector_load %arg6[%get3A_85, %get3A_86] {strides = array<i32>} : memref<200x128xi32, #tpu.memory_space<vmem>>, vector<16xi32>,
      %gather3A_88 = tpu.vector_load_idx %arg7[%get3A_87] : memref<100000xf32, #tpu.memory_space<vmem>>[vector<16xi32>], vector<16xf32>,
      %add3A_89 = arith.addf %scan3A_44, %gather3A_88 : vector<16xf32>
      %add3A_90 = arith.constant 0 : i32
      %add3A_91 = arith.addi %mul3A_48, %add3A_90 : i32
      %get3A_92 = arith.index_cast %add3A_91 : i32 to index
      %get3A_93 = arith.constant 96 : index
      %get3A_94 = tpu.vector_load %arg6[%get3A_92, %get3A_93] {strides = array<i32>} : memref<200x128xi32, #tpu.memory_space<vmem>>, vector<16xi32>,
      %gather3A_95 = tpu.vector_load_idx %arg7[%get3A_94] : memref<100000xf32, #tpu.memory_space<vmem>>[vector<16xi32>], vector<16xf32>,
      %add3A_96 = arith.addf %scan3A_45, %gather3A_95 : vector<16xf32>
      %add3A_97 = arith.constant 0 : i32
      %add3A_98 = arith.addi %mul3A_48, %add3A_97 : i32
      %get3A_99 = arith.index_cast %add3A_98 : i32 to index
      %get3A_100 = arith.constant 112 : index
      %get3A_101 = tpu.vector_load %arg6[%get3A_99, %get3A_100] {strides = array<i32>} : memref<200x128xi32, #tpu.memory_space<vmem>>, vector<16xi32>,
      %gather3A_102 = tpu.vector_load_idx %arg7[%get3A_101] : memref<100000xf32, #tpu.memory_space<vmem>>[vector<16xi32>], vector<16xf32>,
      %add3A_103 = arith.addf %scan3A_46, %gather3A_102 : vector<16xf32>
      %add3A_104 = arith.constant 1 : i32
      %add3A_105 = arith.addi %mul3A_48, %add3A_104 : i32
      %get3A_106 = arith.index_cast %add3A_105 : i32 to index
      %get3A_107 = arith.constant 0 : index
      %get3A_108 = tpu.vector_load %arg6[%get3A_106, %get3A_107] {strides = array<i32>} : memref<200x128xi32, #tpu.memory_space<vmem>>, vector<16xi32>,
      %gather3A_109 = tpu.vector_load_idx %arg7[%get3A_108] : memref<100000xf32, #tpu.memory_space<vmem>>[vector<16xi32>], vector<16xf32>,
      %add3A_110 = arith.addf %add3A_54, %gather3A_109 : vector<16xf32>
      %add3A_111 = arith.constant 1 : i32
      %add3A_112 = arith.addi %mul3A_48, %add3A_111 : i32
      %get3A_113 = arith.index_cast %add3A_112 : i32 to index
      %get3A_114 = arith.constant 16 : index
      %get3A_115 = tpu.vector_load %arg6[%get3A_113, %get3A_114] {strides = array<i32>} : memref<200x128xi32, #tpu.memory_space<vmem>>, vector<16xi32>,
      %gather3A_116 = tpu.vector_load_idx %arg7[%get3A_115] : memref<100000xf32, #tpu.memory_space<vmem>>[vector<16xi32>], vector<16xf32>,
      %add3A_117 = arith.addf %add3A_61, %gather3A_116 : vector<16xf32>
      %add3A_118 = arith.constant 1 : i32
      %add3A_119 = arith.addi %mul3A_48, %add3A_118 : i32
      %get3A_120 = arith.index_cast %add3A_119 : i32 to index
      %get3A_121 = arith.constant 32 : index
      %get3A_122 = tpu.vector_load %arg6[%get3A_120, %get3A_121] {strides = array<i32>} : memref<200x128xi32, #tpu.memory_space<vmem>>, vector<16xi32>,
      %gather3A_123 = tpu.vector_load_idx %arg7[%get3A_122] : memref<100000xf32, #tpu.memory_space<vmem>>[vector<16xi32>], vector<16xf32>,
      %add3A_124 = arith.addf %add3A_68, %gather3A_123 : vector<16xf32>
      %add3A_125 = arith.constant 1 : i32
      %add3A_126 = arith.addi %mul3A_48, %add3A_125 : i32
      %get3A_127 = arith.index_cast %add3A_126 : i32 to index
      %get3A_128 = arith.constant 48 : index
      %get3A_129 = tpu.vector_load %arg6[%get3A_127, %get3A_128] {strides = array<i32>} : memref<200x128xi32, #tpu.memory_space<vmem>>, vector<16xi32>,
      %gather3A_130 = tpu.vector_load_idx %arg7[%get3A_129] : memref<100000xf32, #tpu.memory_space<vmem>>[vector<16xi32>], vector<16xf32>,
      %add3A_131 = arith.addf %add3A_75, %gather3A_130 : vector<16xf32>
      %add3A_132 = arith.constant 1 : i32
      %add3A_133 = arith.addi %mul3A_48, %add3A_132 : i32
      %get3A_134 = arith.index_cast %add3A_133 : i32 to index
      %get3A_135 = arith.constant 64 : index
      %get3A_136 = tpu.vector_load %arg6[%get3A_134, %get3A_135] {strides = array<i32>} : memref<200x128xi32, #tpu.memory_space<vmem>>, vector<16xi32>,
      %gather3A_137 = tpu.vector_load_idx %arg7[%get3A_136] : memref<100000xf32, #tpu.memory_space<vmem>>[vector<16xi32>], vector<16xf32>,
      %add3A_138 = arith.addf %add3A_82, %gather3A_137 : vector<16xf32>
      %add3A_139 = arith.constant 1 : i32
      %add3A_140 = arith.addi %mul3A_48, %add3A_139 : i32
      %get3A_141 = arith.index_cast %add3A_140 : i32 to index
      %get3A_142 = arith.constant 80 : index
      %get3A_143 = tpu.vector_load %arg6[%get3A_141, %get3A_142] {strides = array<i32>} : memref<200x128xi32, #tpu.memory_space<vmem>>, vector<16xi32>,
      %gather3A_144 = tpu.vector_load_idx %arg7[%get3A_143] : memref<100000xf32, #tpu.memory_space<vmem>>[vector<16xi32>], vector<16xf32>,
      %add3A_145 = arith.addf %add3A_89, %gather3A_144 : vector<16xf32>
      %add3A_146 = arith.constant 1 : i32
      %add3A_147 = arith.addi %mul3A_48, %add3A_146 : i32
      %get3A_148 = arith.index_cast %add3A_147 : i32 to index
      %get3A_149 = arith.constant 96 : index
      %get3A_150 = tpu.vector_load %arg6[%get3A_148, %get3A_149] {strides = array<i32>} : memref<200x128xi32, #tpu.memory_space<vmem>>, vector<16xi32>,
      %gather3A_151 = tpu.vector_load_idx %arg7[%get3A_150] : memref<100000xf32, #tpu.memory_space<vmem>>[vector<16xi32>], vector<16xf32>,
      %add3A_152 = arith.addf %add3A_96, %gather3A_151 : vector<16xf32>
      %add3A_153 = arith.constant 1 : i32
      %add3A_154 = arith.addi %mul3A_48, %add3A_153 : i32
      %get3A_155 = arith.index_cast %add3A_154 : i32 to index
      %get3A_156 = arith.constant 112 : index
      %get3A_157 = tpu.vector_load %arg6[%get3A_155, %get3A_156] {strides = array<i32>} : memref<200x128xi32, #tpu.memory_space<vmem>>, vector<16xi32>,
      %gather3A_158 = tpu.vector_load_idx %arg7[%get3A_157] : memref<100000xf32, #tpu.memory_space<vmem>>[vector<16xi32>], vector<16xf32>,
      %add3A_159 = arith.addf %add3A_103, %gather3A_158 : vector<16xf32>
      %add3A_160 = arith.constant 2 : i32
      %add3A_161 = arith.addi %mul3A_48, %add3A_160 : i32
      %get3A_162 = arith.index_cast %add3A_161 : i32 to index
      %get3A_163 = arith.constant 0 : index
      %get3A_164 = tpu.vector_load %arg6[%get3A_162, %get3A_163] {strides = array<i32>} : memref<200x128xi32, #tpu.memory_space<vmem>>, vector<16xi32>,
      %gather3A_165 = tpu.vector_load_idx %arg7[%get3A_164] : memref<100000xf32, #tpu.memory_space<vmem>>[vector<16xi32>], vector<16xf32>,
      %add3A_166 = arith.addf %add3A_110, %gather3A_165 : vector<16xf32>
      %add3A_167 = arith.constant 2 : i32
      %add3A_168 = arith.addi %mul3A_48, %add3A_167 : i32
      %get3A_169 = arith.index_cast %add3A_168 : i32 to index
      %get3A_170 = arith.constant 16 : index
      %get3A_171 = tpu.vector_load %arg6[%get3A_169, %get3A_170] {strides = array<i32>} : memref<200x128xi32, #tpu.memory_space<vmem>>, vector<16xi32>,
      %gather3A_172 = tpu.vector_load_idx %arg7[%get3A_171] : memref<100000xf32, #tpu.memory_space<vmem>>[vector<16xi32>], vector<16xf32>,
      %add3A_173 = arith.addf %add3A_117, %gather3A_172 : vector<16xf32>
      %add3A_174 = arith.constant 2 : i32
      %add3A_175 = arith.addi %mul3A_48, %add3A_174 : i32
      %get3A_176 = arith.index_cast %add3A_175 : i32 to index
      %get3A_177 = arith.constant 32 : index
      %get3A_178 = tpu.vector_load %arg6[%get3A_176, %get3A_177] {strides = array<i32>} : memref<200x128xi32, #tpu.memory_space<vmem>>, vector<16xi32>,
      %gather3A_179 = tpu.vector_load_idx %arg7[%get3A_178] : memref<100000xf32, #tpu.memory_space<vmem>>[vector<16xi32>], vector<16xf32>,
      %add3A_180 = arith.addf %add3A_124, %gather3A_179 : vector<16xf32>
      %add3A_181 = arith.constant 2 : i32
      %add3A_182 = arith.addi %mul3A_48, %add3A_181 : i32
      %get3A_183 = arith.index_cast %add3A_182 : i32 to index
      %get3A_184 = arith.constant 48 : index
      %get3A_185 = tpu.vector_load %arg6[%get3A_183, %get3A_184] {strides = array<i32>} : memref<200x128xi32, #tpu.memory_space<vmem>>, vector<16xi32>,
      %gather3A_186 = tpu.vector_load_idx %arg7[%get3A_185] : memref<100000xf32, #tpu.memory_space<vmem>>[vector<16xi32>], vector<16xf32>,
      %add3A_187 = arith.addf %add3A_131, %gather3A_186 : vector<16xf32>
      %add3A_188 = arith.constant 2 : i32
      %add3A_189 = arith.addi %mul3A_48, %add3A_188 : i32
      %get3A_190 = arith.index_cast %add3A_189 : i32 to index
      %get3A_191 = arith.constant 64 : index
      %get3A_192 = tpu.vector_load %arg6[%get3A_190, %get3A_191] {strides = array<i32>} : memref<200x128xi32, #tpu.memory_space<vmem>>, vector<16xi32>,
      %gather3A_193 = tpu.vector_load_idx %arg7[%get3A_192] : memref<100000xf32, #tpu.memory_space<vmem>>[vector<16xi32>], vector<16xf32>,
      %add3A_194 = arith.addf %add3A_138, %gather3A_193 : vector<16xf32>
      %add3A_195 = arith.constant 2 : i32
      %add3A_196 = arith.addi %mul3A_48, %add3A_195 : i32
      %get3A_197 = arith.index_cast %add3A_196 : i32 to index
      %get3A_198 = arith.constant 80 : index
      %get3A_199 = tpu.vector_load %arg6[%get3A_197, %get3A_198] {strides = array<i32>} : memref<200x128xi32, #tpu.memory_space<vmem>>, vector<16xi32>,
      %gather3A_200 = tpu.vector_load_idx %arg7[%get3A_199] : memref<100000xf32, #tpu.memory_space<vmem>>[vector<16xi32>], vector<16xf32>,
      %add3A_201 = arith.addf %add3A_145, %gather3A_200 : vector<16xf32>
      %add3A_202 = arith.constant 2 : i32
      %add3A_203 = arith.addi %mul3A_48, %add3A_202 : i32
      %get3A_204 = arith.index_cast %add3A_203 : i32 to index
      %get3A_205 = arith.constant 96 : index
      %get3A_206 = tpu.vector_load %arg6[%get3A_204, %get3A_205] {strides = array<i32>} : memref<200x128xi32, #tpu.memory_space<vmem>>, vector<16xi32>,
      %gather3A_207 = tpu.vector_load_idx %arg7[%get3A_206] : memref<100000xf32, #tpu.memory_space<vmem>>[vector<16xi32>], vector<16xf32>,
      %add3A_208 = arith.addf %add3A_152, %gather3A_207 : vector<16xf32>
      %add3A_209 = arith.constant 2 : i32
      %add3A_210 = arith.addi %mul3A_48, %add3A_209 : i32
      %get3A_211 = arith.index_cast %add3A_210 : i32 to index
      %get3A_212 = arith.constant 112 : index
      %get3A_213 = tpu.vector_load %arg6[%get3A_211, %get3A_212] {strides = array<i32>} : memref<200x128xi32, #tpu.memory_space<vmem>>, vector<16xi32>,
      %gather3A_214 = tpu.vector_load_idx %arg7[%get3A_213] : memref<100000xf32, #tpu.memory_space<vmem>>[vector<16xi32>], vector<16xf32>,
      %add3A_215 = arith.addf %add3A_159, %gather3A_214 : vector<16xf32>
      %add3A_216 = arith.constant 3 : i32
      %add3A_217 = arith.addi %mul3A_48, %add3A_216 : i32
      %get3A_218 = arith.index_cast %add3A_217 : i32 to index
      %get3A_219 = arith.constant 0 : index
      %get3A_220 = tpu.vector_load %arg6[%get3A_218, %get3A_219] {strides = array<i32>} : memref<200x128xi32, #tpu.memory_space<vmem>>, vector<16xi32>,
      %gather3A_221 = tpu.vector_load_idx %arg7[%get3A_220] : memref<100000xf32, #tpu.memory_space<vmem>>[vector<16xi32>], vector<16xf32>,
      %add3A_222 = arith.addf %add3A_166, %gather3A_221 : vector<16xf32>
      %add3A_223 = arith.constant 3 : i32
      %add3A_224 = arith.addi %mul3A_48, %add3A_223 : i32
      %get3A_225 = arith.index_cast %add3A_224 : i32 to index
      %get3A_226 = arith.constant 16 : index
      %get3A_227 = tpu.vector_load %arg6[%get3A_225, %get3A_226] {strides = array<i32>} : memref<200x128xi32, #tpu.memory_space<vmem>>, vector<16xi32>,
      %gather3A_228 = tpu.vector_load_idx %arg7[%get3A_227] : memref<100000xf32, #tpu.memory_space<vmem>>[vector<16xi32>], vector<16xf32>,
      %add3A_229 = arith.addf %add3A_173, %gather3A_228 : vector<16xf32>
      %add3A_230 = arith.constant 3 : i32
      %add3A_231 = arith.addi %mul3A_48, %add3A_230 : i32
      %get3A_232 = arith.index_cast %add3A_231 : i32 to index
      %get3A_233 = arith.constant 32 : index
      %get3A_234 = tpu.vector_load %arg6[%get3A_232, %get3A_233] {strides = array<i32>} : memref<200x128xi32, #tpu.memory_space<vmem>>, vector<16xi32>,
      %gather3A_235 = tpu.vector_load_idx %arg7[%get3A_234] : memref<100000xf32, #tpu.memory_space<vmem>>[vector<16xi32>], vector<16xf32>,
      %add3A_236 = arith.addf %add3A_180, %gather3A_235 : vector<16xf32>
      %add3A_237 = arith.constant 3 : i32
      %add3A_238 = arith.addi %mul3A_48, %add3A_237 : i32
      %get3A_239 = arith.index_cast %add3A_238 : i32 to index
      %get3A_240 = arith.constant 48 : index
      %get3A_241 = tpu.vector_load %arg6[%get3A_239, %get3A_240] {strides = array<i32>} : memref<200x128xi32, #tpu.memory_space<vmem>>, vector<16xi32>,
      %gather3A_242 = tpu.vector_load_idx %arg7[%get3A_241] : memref<100000xf32, #tpu.memory_space<vmem>>[vector<16xi32>], vector<16xf32>,
      %add3A_243 = arith.addf %add3A_187, %gather3A_242 : vector<16xf32>
      %add3A_244 = arith.constant 3 : i32
      %add3A_245 = arith.addi %mul3A_48, %add3A_244 : i32
      %get3A_246 = arith.index_cast %add3A_245 : i32 to index
      %get3A_247 = arith.constant 64 : index
      %get3A_248 = tpu.vector_load %arg6[%get3A_246, %get3A_247] {strides = array<i32>} : memref<200x128xi32, #tpu.memory_space<vmem>>, vector<16xi32>,
      %gather3A_249 = tpu.vector_load_idx %arg7[%get3A_248] : memref<100000xf32, #tpu.memory_space<vmem>>[vector<16xi32>], vector<16xf32>,
      %add3A_250 = arith.addf %add3A_194, %gather3A_249 : vector<16xf32>
      %add3A_251 = arith.constant 3 : i32
      %add3A_252 = arith.addi %mul3A_48, %add3A_251 : i32
      %get3A_253 = arith.index_cast %add3A_252 : i32 to index
      %get3A_254 = arith.constant 80 : index
      %get3A_255 = tpu.vector_load %arg6[%get3A_253, %get3A_254] {strides = array<i32>} : memref<200x128xi32, #tpu.memory_space<vmem>>, vector<16xi32>,
      %gather3A_256 = tpu.vector_load_idx %arg7[%get3A_255] : memref<100000xf32, #tpu.memory_space<vmem>>[vector<16xi32>], vector<16xf32>,
      %add3A_257 = arith.addf %add3A_201, %gather3A_256 : vector<16xf32>
      %add3A_258 = arith.constant 3 : i32
      %add3A_259 = arith.addi %mul3A_48, %add3A_258 : i32
      %get3A_260 = arith.index_cast %add3A_259 : i32 to index
      %get3A_261 = arith.constant 96 : index
      %get3A_262 = tpu.vector_load %arg6[%get3A_260, %get3A_261] {strides = array<i32>} : memref<200x128xi32, #tpu.memory_space<vmem>>, vector<16xi32>,
      %gather3A_263 = tpu.vector_load_idx %arg7[%get3A_262] : memref<100000xf32, #tpu.memory_space<vmem>>[vector<16xi32>], vector<16xf32>,
      %add3A_264 = arith.addf %add3A_208, %gather3A_263 : vector<16xf32>
      %add3A_265 = arith.constant 3 : i32
      %add3A_266 = arith.addi %mul3A_48, %add3A_265 : i32
      %get3A_267 = arith.index_cast %add3A_266 : i32 to index
      %get3A_268 = arith.constant 112 : index
      %get3A_269 = tpu.vector_load %arg6[%get3A_267, %get3A_268] {strides = array<i32>} : memref<200x128xi32, #tpu.memory_space<vmem>>, vector<16xi32>,
      %gather3A_270 = tpu.vector_load_idx %arg7[%get3A_269] : memref<100000xf32, #tpu.memory_space<vmem>>[vector<16xi32>], vector<16xf32>,
      %add3A_271 = arith.addf %add3A_215, %gather3A_270 : vector<16xf32>
      scf.yield %add3A_222, %add3A_229, %add3A_236, %add3A_243, %add3A_250, %add3A_257, %add3A_264, %add3A_271 : vector<16xf32>, vector<16xf32>, vector<16xf32>, vector<16xf32>, vector<16xf32>, vector<16xf32>, vector<16xf32>, vector<16xf32>
    }
    %scan3A_22 = arith.constant 50 : i32
    %swap3A = arith.constant 0 : index
    %swap3A_23 = tpu.vector_load %arg9[%swap3A] {strides = array<i32>} : memref<128xf32, #tpu.memory_space<vmem>>, vector<16xf32>,
    tpu.vector_store %arg9[%swap3A], %scan3A_21#0 {strides = array<i32>} : memref<128xf32, #tpu.memory_space<vmem>>, vector<16xf32>,
    %swap3A_24 = arith.constant 16 : index
    %swap3A_25 = tpu.vector_load %arg9[%swap3A_24] {strides = array<i32>} : memref<128xf32, #tpu.memory_space<vmem>>, vector<16xf32>,
    tpu.vector_store %arg9[%swap3A_24], %scan3A_21#1 {strides = array<i32>} : memref<128xf32, #tpu.memory_space<vmem>>, vector<16xf32>,
    %swap3A_26 = arith.constant 32 : index
    %swap3A_27 = tpu.vector_load %arg9[%swap3A_26] {strides = array<i32>} : memref<128xf32, #tpu.memory_space<vmem>>, vector<16xf32>,
    tpu.vector_store %arg9[%swap3A_26], %scan3A_21#2 {strides = array<i32>} : memref<128xf32, #tpu.memory_space<vmem>>, vector<16xf32>,
    %swap3A_28 = arith.constant 48 : index
    %swap3A_29 = tpu.vector_load %arg9[%swap3A_28] {strides = array<i32>} : memref<128xf32, #tpu.memory_space<vmem>>, vector<16xf32>,
    tpu.vector_store %arg9[%swap3A_28], %scan3A_21#3 {strides = array<i32>} : memref<128xf32, #tpu.memory_space<vmem>>, vector<16xf32>,
    %swap3A_30 = arith.constant 64 : index
    %swap3A_31 = tpu.vector_load %arg9[%swap3A_30] {strides = array<i32>} : memref<128xf32, #tpu.memory_space<vmem>>, vector<16xf32>,
    tpu.vector_store %arg9[%swap3A_30], %scan3A_21#4 {strides = array<i32>} : memref<128xf32, #tpu.memory_space<vmem>>, vector<16xf32>,
    %swap3A_32 = arith.constant 80 : index
    %swap3A_33 = tpu.vector_load %arg9[%swap3A_32] {strides = array<i32>} : memref<128xf32, #tpu.memory_space<vmem>>, vector<16xf32>,
    tpu.vector_store %arg9[%swap3A_32], %scan3A_21#5 {strides = array<i32>} : memref<128xf32, #tpu.memory_space<vmem>>, vector<16xf32>,
    %swap3A_34 = arith.constant 96 : index
    %swap3A_35 = tpu.vector_load %arg9[%swap3A_34] {strides = array<i32>} : memref<128xf32, #tpu.memory_space<vmem>>, vector<16xf32>,
    tpu.vector_store %arg9[%swap3A_34], %scan3A_21#6 {strides = array<i32>} : memref<128xf32, #tpu.memory_space<vmem>>, vector<16xf32>,
    %swap3A_36 = arith.constant 112 : index
    %swap3A_37 = tpu.vector_load %arg9[%swap3A_36] {strides = array<i32>} : memref<128xf32, #tpu.memory_space<vmem>>, vector<16xf32>,
    tpu.vector_store %arg9[%swap3A_36], %scan3A_21#7 {strides = array<i32>} : memref<128xf32, #tpu.memory_space<vmem>>, vector<16xf32>,
    "tpu.region"() ({
      %run_scoped3A = tpu.sem_alloc : memref<!tpu.dma_semaphore, #tpu.memory_space<semaphore_mem>>
      %dma_start3A_38 = tpu.memref_slice %arg5[%mul3A_2] : memref<4096xf32, #tpu.memory_space<hbm>> -> memref<128xf32, #tpu.memory_space<hbm>>
      %dma_start3A_39 = tpu.memref_slice %arg5[%mul3A_2] : memref<4096xf32, #tpu.memory_space<hbm>> -> memref<128xf32, #tpu.memory_space<hbm>>
      tpu.enqueue_dma source(%arg9 : memref<128xf32, #tpu.memory_space<vmem>>) target(%dma_start3A_39 : memref<128xf32, #tpu.memory_space<hbm>>) target_semaphore(%run_scoped3A : memref<!tpu.dma_semaphore, #tpu.memory_space<semaphore_mem>>)
      %dma_wait3A_40 = tpu.memref_slice %arg5[%mul3A_2] : memref<4096xf32, #tpu.memory_space<hbm>> -> memref<128xf32, #tpu.memory_space<hbm>>
      %dma_wait3A_41 = tpu.memref_slice %arg5[%mul3A_2] : memref<4096xf32, #tpu.memory_space<hbm>> -> memref<128xf32, #tpu.memory_space<hbm>>
      tpu.wait_dma2 semaphore(%run_scoped3A : memref<!tpu.dma_semaphore, #tpu.memory_space<semaphore_mem>>) src(%arg9 : memref<128xf32, #tpu.memory_space<vmem>>) dst(%dma_wait3A_41 : memref<128xf32, #tpu.memory_space<hbm>>)
      tpu.yield
    }) : () -> ()
    return
  }
}

module attributes {stable_mosaic.version = 14 : i64} {
  func.func @_matvec_body(%arg0: i32, %arg1: memref<14336x128xf32, #tpu.memory_space<vmem>>, %arg2: memref<128xf32, #tpu.memory_space<vmem>>, %arg3: memref<1xf32, #tpu.memory_space<vmem>>, %arg4: memref<112x128xf32, #tpu.memory_space<vmem>>, %arg5: memref<16xf32, #tpu.memory_space<vmem>>) attributes {dimension_semantics = [#tpu.dimension_semantics<arbitrary>], iteration_bounds = array<i64: 7>, scalar_prefetch = 0 : i64, scratch_operands = 0 : i64, tpu.core_type = #tpu.core_type<tc>, window_params = [{transform_indices = @transform_0, window_bounds = array<i64: 14336, 128>}, {pipeline_mode = #tpu.pipeline_mode<synchronous>, transform_indices = @transform_1, window_bounds = array<i64: 128>}, {pipeline_mode = #tpu.pipeline_mode<synchronous>, transform_indices = @transform_2, window_bounds = array<i64: 1>}, {transform_indices = @transform_3, window_bounds = array<i64: 112, 128>}, {pipeline_mode = #tpu.pipeline_mode<synchronous>, transform_indices = @transform_4, window_bounds = array<i64: 16>}]} {
    %get3A = arith.constant 0 : index
    %get3A_0 = arith.constant 0 : index
    %get3A_1 = vector.load %arg1[%get3A, %get3A_0] : memref<14336x128xf32, #tpu.memory_space<vmem>>, vector<14336x128xf32>
    %reshape3A = vector.shape_cast %get3A_1 : vector<14336x128xf32> to vector<112x128x128xf32>
    %get3A_2 = arith.constant 0 : index
    %get3A_3 = vector.load %arg2[%get3A_2] : memref<128xf32, #tpu.memory_space<vmem>>, vector<128xf32>
    %dot_general3A = arith.constant dense<0.000000e+00> : vector<112x128xf32>
    %dot_general3A_4 = tpu.matmul %get3A_3, %reshape3A, %dot_general3A {dimension_numbers = #tpu.dot_dimension_numbers<[0], [2], [], [0, 1], [1, 0, 1, 1], [], []>, transpose_lhs_hint = false} : vector<128xf32>, vector<112x128x128xf32>, vector<112x128xf32> -> vector<112x128xf32>
    %mul3A = arith.constant 5.000000e-03 : f32
    %mul3A_5 = vector.broadcast %mul3A : f32 to vector<112x128xf32>
    %mul3A_6 = arith.mulf %dot_general3A_4, %mul3A_5 : vector<112x128xf32>
    %swap3A = arith.constant 0 : index
    %swap3A_7 = arith.constant 0 : index
    %swap3A_8 = vector.load %arg4[%swap3A, %swap3A_7] : memref<112x128xf32, #tpu.memory_space<vmem>>, vector<112x128xf32>
    tpu.vector_store %arg4[%swap3A, %swap3A_7], %mul3A_6 {strides = array<i32>} : memref<112x128xf32, #tpu.memory_space<vmem>>, vector<112x128xf32>,
    %get3A_9 = arith.constant 0 : index
    %get3A_10 = vector.load %arg3[%get3A_9] : memref<1xf32, #tpu.memory_space<vmem>>, vector<1xf32>
    %get3A_11 = vector.extract %get3A_10[0] : f32 from vector<1xf32>
    %broadcast_in_dim3A = vector.broadcast %get3A_11 : f32 to vector<16xf32>
    %swap3A_12 = arith.constant 0 : index
    %swap3A_13 = vector.load %arg5[%swap3A_12] : memref<16xf32, #tpu.memory_space<vmem>>, vector<16xf32>
    tpu.vector_store %arg5[%swap3A_12], %broadcast_in_dim3A {strides = array<i32>} : memref<16xf32, #tpu.memory_space<vmem>>, vector<16xf32>,
    return
  }
  func.func @transform_0(%arg0: i32) -> (i32, i32) {
    %c0_i32 = arith.constant 0 : i32
    %c0_i32_0 = arith.constant 0 : i32
    return %arg0, %c0_i32 : i32, i32
  }
  func.func @transform_1(%arg0: i32) -> i32 {
    %c0_i32 = arith.constant 0 : i32
    %c0_i32_0 = arith.constant 0 : i32
    return %c0_i32 : i32
  }
  func.func @transform_2(%arg0: i32) -> i32 {
    %c0_i32 = arith.constant 0 : i32
    %c0_i32_0 = arith.constant 0 : i32
    return %c0_i32 : i32
  }
  func.func @transform_3(%arg0: i32) -> (i32, i32) {
    %c0_i32 = arith.constant 0 : i32
    %c0_i32_0 = arith.constant 0 : i32
    return %arg0, %c0_i32 : i32, i32
  }
  func.func @transform_4(%arg0: i32) -> i32 {
    %c0_i32 = arith.constant 0 : i32
    %c0_i32_0 = arith.constant 0 : i32
    return %c0_i32 : i32
  }
}

</mosaic_0001>

<sc_bundles>
// kernel: kernel.4.cloned.1.call-start
scs
__scs_entry_jumppad:
0x0: {  	(pc) =	sbr.rel $0x88, $3  }
0x1: {  	(tag) =	ssettag $0x0;
	lr =	simm.s32 $0x1  }
0x2: {  	[smem:$0x3F9D] =	sst lr;
	_ =	strace $0xD0000000  }
0x3: {  	_ = 	snop  }
0x4: {  	_ = 	snop  }
0x5: {  	_ = 	snop  }
0x6: {  	_ = 	snop  }
0x7: {  	_ = 	snop  }
__scs_overlays_trampoline_lowered:
0x8: {  	[smem:$0x3FAC] =	sst s0  }
0x9: {  	[smem:$0x3FAD] =	sst s1  }
0xa: {  	[smem:$0x3FAE] =	sst s2  }
0xb: {  	[smem:$0x3FAF] =	sst s3  }
0xc: {  	[smem:$0x3FB0] =	sst s4  }
0xd: {  	[smem:$0x3FB1] =	sst s5  }
0xe: {  	[smem:$0x3FB2] =	sst s6  }
0xf: {  	[smem:$0x3FB3] =	sst s7  }
0x10: {  	[smem:$0x3FB4] =	sst s8  }
0x11: {  	[smem:$0x3FB5] =	sst s9;
	s0 =	simm.s32 @!p0 $0x0  }
0x12: {  	s1 =	sld [smem:$0x3F9B];
	s0 =	simm.s32 @p0 $0x1  }
0x13: {  	[smem:$0x3FB6] =	sst s0;
	s0 =	simm.s32 @!p1 $0x0  }
0x14: {  	s2 =	sld [smem:$0x3F9A];
	s0 =	simm.s32 @p1 $0x1  }
0x15: {  	[smem:$0x3FB7] =	sst s0;
	s0 =	simm.s32 @!p2 $0x0  }
0x16: {  	s3 =	sld [smem:$0x3FDB];
	s0 =	simm.s32 @p2 $0x1  }
0x17: {  	s4 =	simm.s32 $0x1BF5;
	[smem:$0x3FB9] =	sst s0  }
0x18: {  	s0 =	sld [smem:$0x3F9C];
	_ =	swait.ge [sflag:s4], $0x0  }
0x19: {  	s7 =	sld [smem:$0x3F9D]  }
0x1a: {  	s8 =	sadd.s32 $0xFFFFE003, lr  }
0x1b: {  	s9 =	sadd.s32 $0xFFFFFEF7, lr;
	s5 =	simm.s32 $0xFFFFFFFF;
	p2 =	slt.u32 s8, $0xFFFFF086  }
0x1c: {  	p1 =	slt.u32 s9, $0xF7A;
	s5 =	simm.s32 @!p2 $0x0  }
0x1d: {  	s5 =	simm.s32 @p1 $0x1;
	p0 =	seq.s32 s7, s2  }
0x1e: {  	s7 =	smul.u32 @!p0 $0xF7A, s2;
	p2 =	seq.s32 @!p0 s5, $0x0  }
0x1f: {  	s9 =	smul.u32 $0xF7A, s1;
	s8 =	simm.s32 @!p0 $0x1BF5;
	p2 =	por !p2, p0  }
0x20: {  	[sflag:s8] =	ssyncset.s32 @!p0 $0xFFFFF086;
	s6 =	sadd.s32 @!p0 s3, s7;
	s7 =	simm.s32 @!p0 $0x108  }
0x21: {  	s3 =	sadd.s32 s3, s9;
	s6 =	sadd.s32 @!p0 $0x88, s6;
	s7 =	simm.s32 @p2 $0x1082  }
0x22: {  	[simem:s7], [sflag:s8] =	dma.local @!p0 [hbm:s6], $0xF7A  }
0x23: {  	s9 =	sor.u32 $0xD0000000, s2;
	s6 =	simm.s32 $0x108;
	_ =	swait.ge @!p0 [sflag:s8], $0x0  }
0x24: {  	s3 =	sadd.s32 $0x88, s3;
	s6 =	simm.s32 @!p1 $0x1082;
	[sflag:s4] =	ssyncset.s32 $0xFFFFF086  }
0x25: {  	[simem:s6], [sflag:s4] =	dma.local [hbm:s3], $0xF7A  }
0x26: {  	[smem:$0x3F9D] =	sst s1;
	(tag) =	ssettag s2;
	_ =	strace s9  }
0x27: {  	s1 =	sld [smem:$0x3FAD]  }
0x28: {  	s2 =	sld [smem:$0x3FAE]  }
0x29: {  	s4 =	sld [smem:$0x3FB0]  }
0x2a: {  	p0 =	seq.s32 s5, $0x0;
	s5 =	sld [smem:$0x3FB1]  }
0x2b: {  	s6 =	sld [smem:$0x3FB2]  }
0x2c: {  	s7 =	sld [smem:$0x3FB3]  }
0x2d: {  	s3 =	simm.s32 $0x108;
	s8 =	sld [smem:$0x3FB4]  }
0x2e: {  	s3 =	simm.s32 @!p0 $0x1082;
	s9 =	sld [smem:$0x3FB5]  }
0x2f: {  	lr =	sadd.s32 s0, s3;
	s0 =	sld [smem:$0x3FAC]  }
0x30: {  	s3 =	sld [smem:$0x3FAF]  }
0x31: {  	[smem:$0x3FB8] =	sst s10  }
0x32: {  	s10 =	sld [smem:$0x3FB6];
	_ =	sdelay $0x3  }
0x33: {  	p0 =	seq.s32 s10, $0x1;
	s10 =	sld [smem:$0x3FB8];
	_ =	sdelay $0x3  }
0x34: {  	[smem:$0x3FB8] =	sst s10  }
0x35: {  	s10 =	sld [smem:$0x3FB7];
	_ =	sdelay $0x3  }
0x36: {  	p1 =	seq.s32 s10, $0x1;
	s10 =	sld [smem:$0x3FB8];
	_ =	sdelay $0x3  }
0x37: {  	[smem:$0x3FB8] =	sst s10  }
0x38: {  	s10 =	sld [smem:$0x3FB9]  }
0x39: {  	_ = 	snop;
	(pc) =	sbr.ind lr, $3  }
0x3a: {  	_ = 	snop  }
0x3b: {  	_ = 	snop  }
0x3c: {  	p2 =	seq.s32 s10, $0x1;
	s10 =	sld [smem:$0x3FB8]  }
0x3d: {  	_ =	shalt  }
0x3e: {  	_ =	shalt  }
0x3f: {  	_ =	shalt  }
0x40: {  	_ =	shalt  }
0x41: {  	_ =	shalt  }
0x42: {  	_ =	shalt  }
0x43: {  	_ =	shalt  }
0x44: {  	_ =	shalt  }
0x45: {  	_ =	shalt  }
0x46: {  	_ =	shalt  }
0x47: {  	_ =	shalt  }
0x48: {  	_ =	shalt  }
0x49: {  	_ =	shalt  }
0x4a: {  	_ =	shalt  }
0x4b: {  	_ =	shalt  }
0x4c: {  	_ =	shalt  }
0x4d: {  	_ =	shalt  }
0x4e: {  	_ =	shalt  }
0x4f: {  	_ =	shalt  }
0x50: {  	_ =	shalt  }
0x51: {  	_ =	shalt  }
0x52: {  	_ =	shalt  }
0x53: {  	_ =	shalt  }
0x54: {  	_ =	shalt  }
0x55: {  	_ =	shalt  }
0x56: {  	_ =	shalt  }
0x57: {  	_ =	shalt  }
0x58: {  	_ =	shalt  }
0x59: {  	_ =	shalt  }
0x5a: {  	_ =	shalt  }
0x5b: {  	_ =	shalt  }
0x5c: {  	_ =	shalt  }
0x5d: {  	_ =	shalt  }
0x5e: {  	_ =	shalt  }
0x5f: {  	_ =	shalt  }
0x60: {  	_ =	shalt  }
0x61: {  	_ =	shalt  }
0x62: {  	_ =	shalt  }
0x63: {  	_ =	shalt  }
0x64: {  	_ =	shalt  }
0x65: {  	_ =	shalt  }
0x66: {  	_ =	shalt  }
0x67: {  	_ =	shalt  }
0x68: {  	_ =	shalt  }
0x69: {  	_ =	shalt  }
0x6a: {  	_ =	shalt  }
0x6b: {  	_ =	shalt  }
0x6c: {  	_ =	shalt  }
0x6d: {  	_ =	shalt  }
0x6e: {  	_ =	shalt  }
0x6f: {  	_ =	shalt  }
0x70: {  	_ =	shalt  }
0x71: {  	_ =	shalt  }
0x72: {  	_ =	shalt  }
0x73: {  	_ =	shalt  }
0x74: {  	_ =	shalt  }
0x75: {  	_ =	shalt  }
0x76: {  	_ =	shalt  }
0x77: {  	_ =	shalt  }
0x78: {  	_ =	shalt  }
0x79: {  	_ =	shalt  }
0x7a: {  	_ =	shalt  }
0x7b: {  	_ =	shalt  }
0x7c: {  	_ =	shalt  }
0x7d: {  	_ =	shalt  }
0x7e: {  	_ =	shalt  }
0x7f: {  	_ =	shalt  }
0x80: {  	_ =	shalt  }
0x81: {  	_ =	shalt  }
0x82: {  	_ =	shalt  }
0x83: {  	_ =	shalt  }
0x84: {  	_ =	shalt  }
0x85: {  	_ =	shalt  }
0x86: {  	_ =	shalt  }
0x87: {  	_ =	shalt  }
.Lfunc_end0:
.L_simem_size_0:
called_computation_lowered:
.L_overlay_start_0:
0x88: {  	s2 =	sld [smem:$0x3FD9]  }
0x89: {  	s3 =	sld [smem:$0x3FFE];
	_ =	sdelay $0x1  }
0x8a: {  	s1 =	srdreg.scid  }
0x8b: {  	s0 =	sand.u32 $0x1, s1  }
0x8c: {  	s17 =	sshll.u32 s0, $0xA;
	s2 =	sadd.s32 s3, s2  }
0x8d: {  	s2 =	sadd.s32 s2, s17  }
0x8e: {  	[smem:$0x3FC4] =	sst s2  }
0x8f: {  	_ = 	snop  }
0x90: {  	s2 =	sld [smem:$0x3FC9]  }
0x91: {  	s18 =	sld [smem:$0x3FD0];
	(tm) =	ssettm $0x1  }
0x92: {  	s4 =	sld [smem:$0x3FFB];
	_ =	sdelay $0x3  }
0x93: {  	_ =	strace s4  }
0x94: {  	s4 =	sld [smem:$0x3FFC];
	_ =	sdelay $0x3  }
0x95: {  	_ =	strace s4  }
0x96: {  	s4 =	sld [smem:$0x3FFD];
	_ =	sdelay $0x3  }
0x97: {  	_ =	strace s4  }
0x98: {  	_ =	strace $0x8FFFFFFF  }
0x99: {  	s19 =	sld [smem:$0x3FDB];
	_ =	sdelay $0x1  }
0x9a: {  	s5 =	simm.s32 $_scs_section_size  }
0x9b: {  	s6 =	simm.s32 $_size__tile_overlayer_lowered;
	s7 =	simm.s32 $_tile_overlayer_lowered  }
0x9c: {  	s22 =	simm.s32 $0x1BFF;
	s21 =	sshll.u32 s7, $0x1;
	s4 =	sadd.s32 s5, s19  }
0x9d: {  	s8 =	simm.s32 $0x0;
	s20 =	sshll.u32 s6, $0x1;
	s6 =	sadd.s32 s21, s4  }
0x9e: {  	[timem:s8], [sflag:s22] =	dma.local [hbm:s6], s20  }
0x9f: {  	_ =	swait.ge [sflag:s22], s20  }
0xa0: {  	s5 =	ssub.s32 $0x0, s20;
	[sflag:s22] =	ssyncset.done $0x0  }
0xa1: {  	[sflag:s22] =	ssyncadd.s32 s5;
	_ =	sdelay $0x1  }
0xa2: {  	s23 =	simm.s32 $0x1B8B  }
0xa3: {  	_ =	swait.ge [sflag:s23], $0x1  }
0xa4: {  	[sflag:s23] =	ssyncset.done $0x0  }
0xa5: {  	s25 =	simm.s32 $0x1B8E;
	s24 =	sld [smem:$0x3FFE];
	[sflag:s23] =	ssyncadd.s32 $0xFFFFFFFF  }
0xa6: {  	s26 =	simm.s32 $execute0_lowered;
	[smem:$0x3FD2] =	sst s25  }
0xa7: {  	s6 =	sshll.u32 s26, $0x1;
	_ =	strace $0x80000046;
	[dreg:$0x1] =	wrdreg $0xFFFFFFFF  }
0xa8: {  	s28 =	simm.s32 $_size_execute0_lowered;
	s4 =	sadd.s32 s4, s6;
	[dreg:$0x0] =	wrdreg $0x0  }
0xa9: {  	s6 =	sshll.u32 s28, $0x1;
	[dreg:$0x2] =	wrdreg s4  }
0xaa: {  	[dreg:$0x3] =	wrdreg s6  }
0xab: {  	[dreg:$0x4] =	wrdreg $0xC0  }
0xac: {  	_ =	task [dreg:s8], $0x5FFFF  }
0xad: {  	[dreg:$0x1] =	wrdreg $0xFFFFFFFF  }
0xae: {  	[dreg:$0x0] =	wrdreg $0x60  }
0xaf: {  	[dreg:$0x2] =	wrdreg s2  }
0xb0: {  	[dreg:$0x3] =	wrdreg s24  }
0xb1: {  	[dreg:$0x4] =	wrdreg s18  }
0xb2: {  	[dreg:$0x5] =	wrdreg $0x9  }
0xb3: {  	_ =	task.clear_ibuf [dreg:s8], $0x6FFFF;
	_ =	strace $0x90000046  }
0xb4: {  	s29 =	simm.s32 $0x9;
	_ =	strace $0x80000048  }
0xb5: {  	_ =	swait.ge [sflag:s29], $0x1  }
0xb6: {  	[sflag:s29] =	ssyncadd.s32 $0xFFFFFFFF  }
0xb7: {  	_ =	strace $0x90000048  }
0xb8: {  	_ =	sfence  }
0xb9: {  	s30 =	sld [smem:$0x0];
	_ =	sdelay $0x2  }
0xba: {  	s31 =	sshll.u32 s1, $0xD;
	s1 =	sshrl.u32 s1, $0x2  }
0xbb: {  	s3 =	sand.u32 $0x4000, s31;
	s1 =	sadd.s32 s1, s30  }
0xbc: {  	s0 =	sor.u32 s3, s0;
	s1 =	sshll.u32 s1, $0x11  }
0xbd: {  	s0 =	sor.u32 s1, s0  }
0xbe: {  	s0 =	sadd.s32 $0x8F2B, s0  }
0xbf: {  	[sflag:s0] =	ssyncadd.remote.s32 $0x1  }
0xc0: {  	_ =	sfence.sel $0xFFFF  }
0xc1: {  	[dreg:$0x0] =	wrdreg $0xFFFFFFFF;
	(pc) =	sbr.abs _section_cstart, $3  }
0xc2: {  	[dreg:$0x1] =	wrdreg $0xFFFFFFFF  }
0xc3: {  	_ =	task.clear_ibuf [dreg:s8], $0x2FFFF;
	_ =	strace $0x9FFFFFFF  }
0xc4: {  	(tm) =	ssettm $0x7FFFFFFF  }
0xc5: {  	_ =	shalt  }
tec
execute0_lowered:
.L_overlay_start_1:
0x0: {  	(tag) =	ssettag $0x1  }
0x1: {  	s5 =	rddreg [dreg:$0x0]  }
0x2: {  	s4 =	rddreg [dreg:$0x1]  }
0x3: {  	s6 =	rddreg [dreg:$0x2]  }
0x4: {  	s0 =	rddreg [dreg:$0x3];
	s2 =	simm.s32 $0x0;
	s7 =	srdreg.scid  }
0x5: {  	s1 =	stileid.u32;
	s11 =	simm.s32 $0x1EB00;
	s12 =	simm.s32 $0x1  }
0x6: {  	s13 =	simm.s32 $0x1EB80;
	s14 =	simm.s32 $0x2;
	s15 =	simm.s32 $0x0  }
0x7: {  	[smem:$0x7FF] =	sst s2;
	s3 =	sadd.s32 $0xC00, s4;
	s7 =	sand.u32 $0x1, s7  }
0x8: {  	s8 =	sshll.u32 s1, $0x1;
	s4 =	sadd.s32 $0x3E00, s4;
	s9 =	ssub.s32 $0x2, s7  }
0x9: {  	_ =	strace $0x80000047;
	s7 =	sor.u32 s7, s8;
	s31 =	sshrl.u32 s9, $0x1  }
0xa: {  	s10 =	sshll.u32 s7, $0x7;
	s7 =	sshll.u32 s7, $0x4;
	s8 =	ssub.s32 s9, s31  }
0xb: {  	s5 =	sadd.s32 s5, s10;
	s6 =	sadd.s32 s6, s7;
	s9 =	simm.s32 $0x8000  }
0xc: {  	s10 =	simm.s32 $0x6400;
	s7 =	smax.u32 s8, $0x1;
	s8 =	simm.s32 $0x400  }
.LBB2_1:
0xd: {  	[tilespmem:s2], [sflag:$0x1] =	stream.strided.gather [hbm4b:s5+s8], $0x6400, s9, s8, $0x38;
	[tilespmem:$0x1EC00] =	vst v63  }
0xe: {  	_ = 	snop  }
0xf: {  	[tilespmem:s10], [sflag:$0x1] =	stream.linear.gather [hbm4b:s3+s2], $0x186A0, $0x38;
	[tilespmem:$0x1EC00] =	vst v63  }
0x10: {  	_ = 	snop  }
0x11: {  	[tilespmem:s11], [sflag:$0x1] =	stream.linear.gather [hbm4b:s4+s2], $0x80, $0x38;
	[tilespmem:$0x1EC00] =	vst v63  }
0x12: {  	_ =	swait.ge [sflag:s12], $0x6400  }
0x13: {  	[sflag:s12] =	ssyncset.done $0x0  }
0x14: {  	[sflag:s12] =	ssyncadd.s32 $0xFFFF9C00  }
0x15: {  	_ =	swait.ge [sflag:s12], $0x186A0  }
0x16: {  	[sflag:s12] =	ssyncset.done $0x0  }
0x17: {  	[sflag:s12] =	ssyncadd.s32 $0xFFFE7960  }
0x18: {  	_ =	swait.ge [sflag:s12], $0x80  }
0x19: {  	[sflag:s12] =	ssyncset.done $0x0  }
0x1a: {  	[sflag:s12] =	ssyncadd.s32 $0xFFFFFF80  }
0x1b: {  	s16 =	simm.s32 $0x0;
	v2 =	vld [tilespmem:$0x1EB00]  }
0x1c: {  	v5 =	vld [tilespmem:s16+$0x180]  }
0x1d: {  	v6 =	vld [tilespmem:s16+$0x190]  }
0x1e: {  	v7 =	vld [tilespmem:s16+$0x1A0]  }
0x1f: {  	v8 =	vld [tilespmem:s16+$0x1B0]  }
0x20: {  	v9 =	vld [tilespmem:s16+$0x1C0]  }
0x21: {  	v11 =	vld [tilespmem:s16+$0x1D0]  }
0x22: {  	v1 =	vld [tilespmem:s16+$0x1E0]  }
0x23: {  	v0 =	vld [tilespmem:s16+$0x1F0]  }
0x24: {  	v12 =	vld [tilespmem:s16+$0x100]  }
0x25: {  	v13 =	vld [tilespmem:s16+$0x110]  }
0x26: {  	v16 =	vld [tilespmem:s16+$0x120]  }
0x27: {  	v17 =	vld [tilespmem:s16+$0x130]  }
0x28: {  	v35 =	vld [tilespmem:s16+$0x140]  }
0x29: {  	v36 =	vld [tilespmem:s16+$0x150]  }
0x2a: {  	v4 =	vld [tilespmem:s16+$0x160]  }
0x2b: {  	v3 =	vld [tilespmem:s16+$0x170]  }
0x2c: {  	v37 =	vld [tilespmem:s16+$0x80]  }
0x2d: {  	v38 =	vld [tilespmem:s16+$0x90]  }
0x2e: {  	v22 =	vld [tilespmem:s16+$0xA0]  }
0x2f: {  	v23 =	vld [tilespmem:s16+$0xB0]  }
0x30: {  	v24 =	vld [tilespmem:s16+$0xC0]  }
0x31: {  	v25 =	vld [tilespmem:s16+$0xD0]  }
0x32: {  	v15 =	vld [tilespmem:s16+$0xE0]  }
0x33: {  	v14 =	vld [tilespmem:s16+$0xF0]  }
0x34: {  	v39 =	vld [tilespmem:s16+$0x0]  }
0x35: {  	v40 =	vld [tilespmem:s16+$0x10]  }
0x36: {  	v41 =	vld [tilespmem:s16+$0x20]  }
0x37: {  	v34 =	vld [tilespmem:s16+$0x30]  }
0x38: {  	v29 =	vld [tilespmem:s16+$0x40]  }
0x39: {  	v28 =	vld [tilespmem:s16+$0x50]  }
0x3a: {  	v27 =	vld [tilespmem:s16+$0x60]  }
0x3b: {  	v26 =	vld [tilespmem:s16+$0x70]  }
0x3c: {  	v20 =	vld.idx.msk [tilespmem:v5+s10+$0x0], $0xffff  }
0x3d: {  	v21 =	vld.idx.msk [tilespmem:v6+s10+$0x0], $0xffff  }
0x3e: {  	v19 =	vld.idx.msk [tilespmem:v7+s10+$0x0], $0xffff  }
0x3f: {  	v18 =	vld.idx.msk [tilespmem:v8+s10+$0x0], $0xffff  }
0x40: {  	v10 =	vld.idx.msk [tilespmem:v9+s10+$0x0], $0xffff  }
0x41: {  	v9 =	vld.idx.msk [tilespmem:v11+s10+$0x0], $0xffff  }
0x42: {  	v31 =	vld.idx.msk [tilespmem:v12+s10+$0x0], $0xffff  }
0x43: {  	v33 =	vld.idx.msk [tilespmem:v13+s10+$0x0], $0xffff  }
0x44: {  	v30 =	vld.idx.msk [tilespmem:v16+s10+$0x0], $0xffff  }
0x45: {  	v32 =	vld.idx.msk [tilespmem:v17+s10+$0x0], $0xffff  }
0x46: {  	v17 =	vld.idx.msk [tilespmem:v35+s10+$0x0], $0xffff  }
0x47: {  	v16 =	vld.idx.msk [tilespmem:v36+s10+$0x0], $0xffff  }
0x48: {  	v35 =	vld.idx.msk [tilespmem:v37+s10+$0x0], $0xffff  }
0x49: {  	v36 =	vld.idx.msk [tilespmem:v38+s10+$0x0], $0xffff  }
0x4a: {  	v38 =	vld.idx.msk [tilespmem:v39+s10+$0x0], $0xffff  }
0x4b: {  	v39 =	vld.idx.msk [tilespmem:v40+s10+$0x0], $0xffff;
	v13 =	vmov v2;
	v11 =	vmov v2  }
0x4c: {  	s16 =	simm.s32 $0x800;
	v37 =	vld.idx.msk [tilespmem:v41+s10+$0x0], $0xffff;
	v12 =	vmovc v2;
	v8 =	vmovc v2;
	v7 =	vmov v2;
	v6 =	vmov v2;
	v5 =	vmov v2  }
.LBB2_2:
0x4d: {  	p0 =	sne.s32 s16, $0x18800;
	v34 =	vld.idx.msk [tilespmem:v34+s10+$0x0], $0xffff  }
0x4e: {  	v22 =	vld.idx.msk [tilespmem:v22+s10+$0x0], $0xffff  }
0x4f: {  	v23 =	vld.idx.msk [tilespmem:v23+s10+$0x0], $0xffff  }
0x50: {  	v24 =	vld.idx.msk [tilespmem:v24+s10+$0x0], $0xffff  }
0x51: {  	v25 =	vld.idx.msk [tilespmem:v25+s10+$0x0], $0xffff  }
0x52: {  	v2 =	vadd.f32 v38, v2;
	v13 =	vadd.f32 v39, v13;
	v29 =	vld.idx.msk [tilespmem:v29+s10+$0x0], $0xffff  }
0x53: {  	v11 =	vadd.f32 v37, v11;
	v12 =	vadd.f32 v34, v12;
	v28 =	vld.idx.msk [tilespmem:v28+s10+$0x0], $0xffff  }
0x54: {  	v2 =	vadd.f32 v35, v2;
	v13 =	vadd.f32 v36, v13;
	v27 =	vld.idx.msk [tilespmem:v27+s10+$0x0], $0xffff  }
0x55: {  	v11 =	vadd.f32 v22, v11;
	v12 =	vadd.f32 v23, v12;
	v26 =	vld.idx.msk [tilespmem:v26+s10+$0x0], $0xffff  }
0x56: {  	v2 =	vadd.f32 v31, v2;
	v13 =	vadd.f32 v33, v13;
	v15 =	vld.idx.msk [tilespmem:v15+s10+$0x0], $0xffff  }
0x57: {  	v11 =	vadd.f32 v30, v11;
	v12 =	vadd.f32 v32, v12;
	v14 =	vld.idx.msk [tilespmem:v14+s10+$0x0], $0xffff  }
0x58: {  	v2 =	vadd.f32 v20, v2;
	v13 =	vadd.f32 v21, v13;
	v4 =	vld.idx.msk [tilespmem:v4+s10+$0x0], $0xffff  }
0x59: {  	v11 =	vadd.f32 v19, v11;
	v12 =	vadd.f32 v18, v12;
	v3 =	vld.idx.msk [tilespmem:v3+s10+$0x0], $0xffff  }
0x5a: {  	v8 =	vadd.f32 v29, v8;
	v7 =	vadd.f32 v28, v7;
	v1 =	vld.idx.msk [tilespmem:v1+s10+$0x0], $0xffff  }
0x5b: {  	s17 =	sshra.s32 s16, $0x2;
	v6 =	vadd.f32 v27, v6;
	v5 =	vadd.f32 v26, v5;
	v0 =	vld.idx.msk [tilespmem:v0+s10+$0x0], $0xffff  }
0x5c: {  	v8 =	vadd.f32 v24, v8;
	v7 =	vadd.f32 v25, v7;
	v18 =	vld [tilespmem:s17+$0x180]  }
0x5d: {  	v6 =	vadd.f32 v15, v6;
	v5 =	vadd.f32 v14, v5;
	v19 =	vld [tilespmem:s17+$0x190]  }
0x5e: {  	v8 =	vadd.f32 v17, v8;
	v7 =	vadd.f32 v16, v7;
	v30 =	vld [tilespmem:s17+$0x1A0]  }
0x5f: {  	v4 =	vadd.f32 v4, v6;
	v3 =	vadd.f32 v3, v5;
	v16 =	vld [tilespmem:s17+$0x1B0]  }
0x60: {  	v8 =	vadd.f32 v10, v8;
	v7 =	vadd.f32 v9, v7;
	v17 =	vld [tilespmem:s17+$0x1C0]  }
0x61: {  	v6 =	vadd.f32 v1, v4;
	v5 =	vadd.f32 v0, v3;
	v9 =	vld [tilespmem:s17+$0x1D0]  }
0x62: {  	v1 =	vld [tilespmem:s17+$0x1E0]  }
0x63: {  	v0 =	vld [tilespmem:s17+$0x1F0]  }
0x64: {  	v31 =	vld [tilespmem:s17+$0x100]  }
0x65: {  	v32 =	vld [tilespmem:s17+$0x110]  }
0x66: {  	v35 =	vld [tilespmem:s17+$0x120]  }
0x67: {  	v36 =	vld [tilespmem:s17+$0x130]  }
0x68: {  	v37 =	vld [tilespmem:s17+$0x140]  }
0x69: {  	v38 =	vld [tilespmem:s17+$0x150]  }
0x6a: {  	v4 =	vld [tilespmem:s17+$0x160]  }
0x6b: {  	v3 =	vld [tilespmem:s17+$0x170]  }
0x6c: {  	v39 =	vld [tilespmem:s17+$0x80]  }
0x6d: {  	v40 =	vld [tilespmem:s17+$0x90]  }
0x6e: {  	v22 =	vld [tilespmem:s17+$0xA0]  }
0x6f: {  	v23 =	vld [tilespmem:s17+$0xB0]  }
0x70: {  	v24 =	vld [tilespmem:s17+$0xC0]  }
0x71: {  	v25 =	vld [tilespmem:s17+$0xD0]  }
0x72: {  	v15 =	vld [tilespmem:s17+$0xE0]  }
0x73: {  	v14 =	vld [tilespmem:s17+$0xF0]  }
0x74: {  	v41 =	vld [tilespmem:s17+$0x0]  }
0x75: {  	v42 =	vld [tilespmem:s17+$0x10]  }
0x76: {  	v43 =	vld [tilespmem:s17+$0x20]  }
0x77: {  	v34 =	vld [tilespmem:s17+$0x30]  }
0x78: {  	v29 =	vld [tilespmem:s17+$0x40]  }
0x79: {  	v28 =	vld [tilespmem:s17+$0x50]  }
0x7a: {  	v27 =	vld [tilespmem:s17+$0x60]  }
0x7b: {  	v26 =	vld [tilespmem:s17+$0x70]  }
0x7c: {  	v20 =	vld.idx.msk [tilespmem:v18+s10+$0x0], $0xffff  }
0x7d: {  	v21 =	vld.idx.msk [tilespmem:v19+s10+$0x0], $0xffff  }
0x7e: {  	v19 =	vld.idx.msk [tilespmem:v30+s10+$0x0], $0xffff  }
0x7f: {  	v18 =	vld.idx.msk [tilespmem:v16+s10+$0x0], $0xffff  }
0x80: {  	v10 =	vld.idx.msk [tilespmem:v17+s10+$0x0], $0xffff  }
0x81: {  	v9 =	vld.idx.msk [tilespmem:v9+s10+$0x0], $0xffff  }
0x82: {  	v31 =	vld.idx.msk [tilespmem:v31+s10+$0x0], $0xffff  }
0x83: {  	v33 =	vld.idx.msk [tilespmem:v32+s10+$0x0], $0xffff  }
0x84: {  	v30 =	vld.idx.msk [tilespmem:v35+s10+$0x0], $0xffff  }
0x85: {  	v32 =	vld.idx.msk [tilespmem:v36+s10+$0x0], $0xffff  }
0x86: {  	v17 =	vld.idx.msk [tilespmem:v37+s10+$0x0], $0xffff  }
0x87: {  	v16 =	vld.idx.msk [tilespmem:v38+s10+$0x0], $0xffff  }
.Ltmp0:
0x88: {  	v35 =	vld.idx.msk [tilespmem:v39+s10+$0x0], $0xffff;
	(pc) =	sbr.rel @p0 .LBB2_2-.Ltmp0, $4  }
0x89: {  	v36 =	vld.idx.msk [tilespmem:v40+s10+$0x0], $0xffff  }
0x8a: {  	v38 =	vld.idx.msk [tilespmem:v41+s10+$0x0], $0xffff  }
0x8b: {  	v39 =	vld.idx.msk [tilespmem:v42+s10+$0x0], $0xffff  }
0x8c: {  	s16 =	sadd.s32 $0x800, s16;
	v37 =	vld.idx.msk [tilespmem:v43+s10+$0x0], $0xffff  }
0x8d: {  	_ =	sdelay $0x3  }
0x8e: {  	v34 =	vld.idx.msk [tilespmem:v34+s10+$0x0], $0xffff  }
0x8f: {  	v22 =	vld.idx.msk [tilespmem:v22+s10+$0x0], $0xffff  }
0x90: {  	v23 =	vld.idx.msk [tilespmem:v23+s10+$0x0], $0xffff  }
0x91: {  	v29 =	vld.idx.msk [tilespmem:v29+s10+$0x0], $0xffff  }
0x92: {  	v28 =	vld.idx.msk [tilespmem:v28+s10+$0x0], $0xffff  }
0x93: {  	v27 =	vld.idx.msk [tilespmem:v27+s10+$0x0], $0xffff  }
0x94: {  	v59 =	vld.idx.msk [tilespmem:v26+s10+$0x0], $0xffff;
	v2 =	vadd.f32 v38, v2  }
0x95: {  	v24 =	vld.idx.msk [tilespmem:v24+s10+$0x0], $0xffff;
	v13 =	vadd.f32 v39, v13  }
0x96: {  	v25 =	vld.idx.msk [tilespmem:v25+s10+$0x0], $0xffff;
	v11 =	vadd.f32 v37, v11;
	v2 =	vadd.f32 v35, v2  }
0x97: {  	v15 =	vld.idx.msk [tilespmem:v15+s10+$0x0], $0xffff;
	v12 =	vadd.f32 v34, v12;
	v13 =	vadd.f32 v36, v13  }
0x98: {  	v14 =	vld.idx.msk [tilespmem:v14+s10+$0x0], $0xffff;
	v8 =	vadd.f32 v29, v8;
	v7 =	vadd.f32 v28, v7  }
0x99: {  	v6 =	vadd.f32 v27, v6;
	v5 =	vadd.f32 v59, v5  }
0x9a: {  	v11 =	vadd.f32 v22, v11;
	v2 =	vadd.f32 v31, v2  }
0x9b: {  	v12 =	vadd.f32 v23, v12;
	v13 =	vadd.f32 v33, v13  }
0x9c: {  	v8 =	vadd.f32 v24, v8;
	v7 =	vadd.f32 v25, v7  }
0x9d: {  	v4 =	vld.idx.msk [tilespmem:v4+s10+$0x0], $0xffff;
	v6 =	vadd.f32 v15, v6;
	v60 =	vadd.f32 v14, v5  }
0x9e: {  	v3 =	vld.idx.msk [tilespmem:v3+s10+$0x0], $0xffff;
	v11 =	vadd.f32 v30, v11;
	v2 =	vadd.f32 v20, v2  }
0x9f: {  	v1 =	vld.idx.msk [tilespmem:v1+s10+$0x0], $0xffff;
	v12 =	vadd.f32 v32, v12;
	v13 =	vadd.f32 v21, v13  }
0xa0: {  	v0 =	vld.idx.msk [tilespmem:v0+s10+$0x0], $0xffff;
	v8 =	vadd.f32 v17, v8;
	v11 =	vadd.f32 v19, v11;
	[tilespmem:$0x1EB80] =	vst v2  }
0xa1: {  	v61 =	vadd.f32 v16, v7;
	v12 =	vadd.f32 v18, v12;
	[tilespmem:$0x1EB90] =	vst v13  }
0xa2: {  	v4 =	vadd.f32 v4, v6;
	v62 =	vadd.f32 v10, v8;
	[tilespmem:$0x1EBA0] =	vst v11  }
0xa3: {  	v2 =	vadd.f32 v3, v60;
	v63 =	vadd.f32 v9, v61;
	[tilespmem:$0x1EBB0] =	vst v12  }
0xa4: {  	v1 =	vadd.f32 v1, v4;
	[tilespmem:$0x1EBC0] =	vst v62  }
0xa5: {  	s15 =	sadd.s32 $0x1, s15;
	v0 =	vadd.f32 v0, v2;
	[tilespmem:$0x1EBD0] =	vst v63  }
0xa6: {  	p0 =	sne.s32 s15, s7;
	[tilespmem:$0x1EBE0] =	vst v1  }
.Ltmp1:
0xa7: {  	[tilespmem:$0x1EBF0] =	vst v0;
	(pc) =	sbr.rel @p0 .LBB2_1-.Ltmp1, $4  }
0xa8: {  	[hbm4b:s6+s2] =	stream.linear.scatter [tilespmem:s13], [sflag:$0x2], $0x80, $0x38;
	[tilespmem:$0x1EC00] =	vst v63  }
0xa9: {  	_ =	swait.ge [sflag:s14], $0x80  }
0xaa: {  	[sflag:s14] =	ssyncset.done $0x0  }
0xab: {  	[sflag:s14] =	ssyncadd.s32 $0xFFFFFF80  }
0xac: {  	_ =	sfence.sel $0x180000  }
0xad: {  	[bflag:$0x0] =	sbarrier.arrive $0xFFFF  }
0xae: {  	p0 =	sne.s32 s1, $0x0;
	_ =	strace $0x90000047  }
0xaf: {  	s0 =	sadd.s32 @!p0 $0x100000, s0;
	[bflag:$0x2] =	sbarrier.arrive $0xFFFF  }
0xb0: {  	[sflag:s0] =	ssyncadd.tile.s32 @!p0 $0x1;
	_ =	shalt  }
.Lfunc_end2:
_tile_overlayer_lowered:
.L_overlay_start_2:
0xb1: {  	(tag) =	ssettag $0x2  }
0xb2: {  	s0 =	rddreg [dreg:$0x0];
	s2 =	stileid.u32  }
0xb3: {  	s1 =	rddreg [dreg:$0x1];
	p0 =	sne.s32 s2, $0x0  }
0xb4: {  	s3 =	rddreg [dreg:$0x2];
	[bflag:$0x3] =	sbarrier.arrive $0xFFFF;
	s2 =	simm.s32 @!p0 $0x1C02  }
0xb5: {  	[timem:s3], [sflag:s2] =	dma.local @!p0 [hbm:s0], s1  }
0xb6: {  	s0 =	simm.s32 @!p0 $0x2  }
0xb7: {  	_ =	swait.ge @!p0 [sflag:s0], s1  }
0xb8: {  	s1 =	ssub.s32 @!p0 $0x0, s1;
	[sflag:s0] =	ssyncset.done @!p0 $0x0  }
0xb9: {  	[sflag:s0] =	ssyncadd.s32 @!p0 s1  }
0xba: {  	[bflag:$0x3] =	sbarrier.arrive $0xFFFF  }
0xbb: {  	_ =	shalt  }

</sc_bundles>
